<compile_context>
chip_gen: v7x
topology: tpu7x:2x2x1
jax: 0.10.2.dev20260603
libtpu: 0.0.44.dev20260713+nightly
codegen_flags: <defaults>
</compile_context>

<pallas_src>
import functools
import math

import jax
import jax.numpy as jnp
from jax import lax
from jax.experimental import pallas as pl
from jax.experimental.pallas import tpu as pltpu
from jax.experimental.pallas import tpu_sc as plsc

_SMOOTHING = 0.1
_PAD = 0

_NC = 2
_NS = 16
_NW = _NC * _NS

_M = 2
_BR = 16


def _sc_count_body(tgt_hbm, out_hbm, tgt_v, res_v, *, rows_pw):
    wid = lax.axis_index("s") * _NC + lax.axis_index("c")
    base = wid * rows_pw
    pltpu.sync_copy(tgt_hbm.at[pl.ds(base, rows_pw)], tgt_v)
    nv = jnp.zeros((16,), jnp.float32)
    for c in range(rows_pw // 16):
        tv = tgt_v[pl.ds(c * 16, 16)]
        nv = nv + jnp.where(tv != _PAD, 1.0, 0.0)
    res_v[...] = nv
    pltpu.sync_copy(res_v, out_hbm.at[pl.ds(wid * 16, 16)])


def _sc_valid_count(tgt, n):
    rows_pw = n // _NW
    mesh = plsc.VectorSubcoreMesh(core_axis_name="c", subcore_axis_name="s",
                                  num_cores=_NC, num_subcores=_NS)
    kfn = pl.kernel(
        functools.partial(_sc_count_body, rows_pw=rows_pw),
        out_type=jax.ShapeDtypeStruct((_NW * 16,), jnp.float32),
        mesh=mesh,
        scratch_types=[
            pltpu.VMEM((rows_pw,), jnp.int32),
            pltpu.VMEM((16,), jnp.float32),
        ],
    )
    return kfn(tgt)


def _tc_body(tgt_ref, *refs, eps, cval, m, has_nv):
    x_refs = refs[:m]
    nv_ref = refs[m] if has_nv else None
    nin = m + (1 if has_nv else 0)
    out_ref, acc_ref = refs[nin], refs[nin + 1]
    k = pl.program_id(0)
    grid = pl.num_programs(0)

    @pl.when(k == 0)
    def _():
        acc_ref[0] = 0.0

    partial = 0.0
    for i, x_ref in enumerate(x_refs):
        br = x_ref.shape[0]
        row0 = (i * grid + k) * br
        tgt = tgt_ref[pl.ds(row0, br), :]
        vf = (tgt != _PAD).astype(jnp.float32)[:, 0]
        xb = x_ref[...]
        rowsum = jnp.sum(xb, axis=1)
        cols = jax.lax.broadcasted_iota(jnp.int32, xb.shape, 1)
        tgtv = jnp.sum(jnp.where(cols == tgt, xb, 0.0), axis=1)
        col0 = xb[:, 0]
        per_row = (-eps) * rowsum + eps * col0 \
            + (eps - (1.0 - _SMOOTHING)) * tgtv
        partial += jnp.sum(vf * per_row)

    acc_ref[0] += partial

    @pl.when(k == pl.num_programs(0) - 1)
    def _():
        nvterm = cval * jnp.sum(nv_ref[...]) if has_nv else 0.0
        out_ref[0, 0] = acc_ref[0] + nvterm


def kernel(x, target):
    n, v = x.shape
    eps = _SMOOTHING / (v - 2)
    cval = _SMOOTHING * math.log(eps) + (1.0 - _SMOOTHING) * math.log(1.0 - _SMOOTHING)
    tgt = target.astype(jnp.int32)
    tgt2d = tgt.reshape(n, 1)

    if n % (_M * _BR) == 0:
        m, br = _M, _BR
    else:
        m, br = 1, 8
    grid = n // (m * br)
    has_nv = n % (16 * _NW) == 0

    def mk_spec(i):
        return pl.BlockSpec((br, v), lambda k, i=i: (i * grid + k, 0))

    in_specs = [pl.BlockSpec((n, 1), lambda k: (0, 0))] \
        + [mk_spec(i) for i in range(m)]
    operands = [tgt2d] + [x] * m
    if has_nv:
        nv_out = _sc_valid_count(tgt, n).reshape(_NW, 16)
        in_specs.append(pl.BlockSpec((_NW, 16), lambda k: (0, 0)))
        operands.append(nv_out)

    tc_out = pl.pallas_call(
        functools.partial(_tc_body, eps=eps, cval=cval, m=m, has_nv=has_nv),
        grid=(grid,),
        in_specs=in_specs,
        out_specs=pl.BlockSpec(memory_space=pltpu.SMEM),
        out_shape=jax.ShapeDtypeStruct((1, 1), jnp.float32),
        scratch_shapes=[pltpu.SMEM((1,), jnp.float32)],
        compiler_params=pltpu.CompilerParams(
            dimension_semantics=("arbitrary",),
        ),
    )(*operands)

    if has_nv:
        return tc_out.reshape(())
    nv = jnp.sum((tgt != _PAD).astype(jnp.float32))
    return (tc_out.reshape(()) + cval * nv)

# --- scband reference (transcript-rebuilt; emitter-appended) ---
"""Pipeline reference for scband-label-smoothing-loss-23553600651876 (READ-ONLY COPY).

The authoritative reference and input builder live on the scoring server;
editing this copy changes nothing except your own understanding.
"""

import jax, jax.numpy as jnp
import numpy as np
from jax.scipy.special import xlogy

VOCAB_SIZE = 100000
PADDING_IDX = 0
SMOOTHING = 0.1


def setup_inputs(seed: int = 0) -> dict:
    key = jax.random.key(seed)
    k1, k2 = jax.random.split(key)
    N = 1024
    x = jax.random.normal(k1, (N, VOCAB_SIZE), dtype=jnp.float32)
    # x is expected to be log-probabilities in the original model; normalize via log_softmax for realism
    x = jax.nn.log_softmax(x, axis=-1)
    target = jax.random.randint(k2, (N,), 0, VOCAB_SIZE, dtype=jnp.int64 if jax.config.jax_enable_x64 else jnp.int32)
    return {"x": x, "target": target}


def reference(x, target):
    N, V = x.shape
    # true_dist construction (no-grad constants)
    true_dist = jnp.full((N, V), SMOOTHING / (VOCAB_SIZE - 2), dtype=x.dtype)
    rows = jnp.arange(N)
    true_dist = true_dist.at[rows, target].set(1.0 - SMOOTHING)
    true_dist = true_dist.at[:, PADDING_IDX].set(0.0)
    mask = (target == PADDING_IDX)
    true_dist = jnp.where(mask[:, None], 0.0, true_dist)
    # KLDivLoss(reduction='sum'): sum(t * (log(t) - x)); xlogy handles t == 0
    loss = jnp.sum(xlogy(true_dist, true_dist) - true_dist * x)
    return loss

if __name__ == "__main__":
    import jax
    _d = setup_inputs()
    print(jax.jit(kernel)(*tuple(_d.values())))

</pallas_src>

<mosaic_0001>
#map = affine_map<(d0, d1) -> (0)>
module attributes {stable_mosaic.version = 14 : i64} {
  func.func @_sc_count_body(%arg0: i32, %arg1: i32, %arg2: memref<1024xi32, #tpu.memory_space<hbm>>, %arg3: memref<512xf32, #tpu.memory_space<hbm>>, %arg4: memref<32xi32, #tpu.memory_space<vmem>>, %arg5: memref<16xf32, #tpu.memory_space<vmem>>) attributes {dimension_semantics = [#tpu.dimension_semantics<core_parallel>, #tpu.dimension_semantics<subcore_parallel>], iteration_bounds = array<i64: 2, 16>, scalar_prefetch = 0 : i64, scratch_operands = 2 : i64, tpu.core_type = #tpu.core_type<sc_vector_subcore>, window_params = [{transform_indices = #map}, {transform_indices = #map}]} {
    %mul3A = arith.constant 2 : i32
    %mul3A_0 = arith.muli %arg1, %mul3A : i32
    %add3A = arith.addi %mul3A_0, %arg0 : i32
    %mul3A_1 = arith.constant 32 : i32
    %mul3A_2 = arith.muli %add3A, %mul3A_1 : i32
    "tpu.region"() ({
      %run_scoped3A = tpu.sem_alloc : memref<!tpu.dma_semaphore, #tpu.memory_space<semaphore_mem>>
      %dma_start3A = tpu.memref_slice %arg2[%mul3A_2] : memref<1024xi32, #tpu.memory_space<hbm>> -> memref<32xi32, #tpu.memory_space<hbm>>
      %dma_start3A_29 = tpu.memref_slice %arg2[%mul3A_2] : memref<1024xi32, #tpu.memory_space<hbm>> -> memref<32xi32, #tpu.memory_space<hbm>>
      tpu.enqueue_dma source(%dma_start3A_29 : memref<32xi32, #tpu.memory_space<hbm>>) target(%arg4 : memref<32xi32, #tpu.memory_space<vmem>>) target_semaphore(%run_scoped3A : memref<!tpu.dma_semaphore, #tpu.memory_space<semaphore_mem>>)
      %dma_wait3A = tpu.memref_slice %arg2[%mul3A_2] : memref<1024xi32, #tpu.memory_space<hbm>> -> memref<32xi32, #tpu.memory_space<hbm>>
      %dma_wait3A_30 = tpu.memref_slice %arg2[%mul3A_2] : memref<1024xi32, #tpu.memory_space<hbm>> -> memref<32xi32, #tpu.memory_space<hbm>>
      tpu.wait_dma2 semaphore(%run_scoped3A : memref<!tpu.dma_semaphore, #tpu.memory_space<semaphore_mem>>) src(%dma_wait3A_30 : memref<32xi32, #tpu.memory_space<hbm>>) dst(%arg4 : memref<32xi32, #tpu.memory_space<vmem>>)
      tpu.yield
    }) : () -> ()
    %broadcast_in_dim3A = arith.constant 0.000000e+00 : f32
    %broadcast_in_dim3A_3 = vector.broadcast %broadcast_in_dim3A : f32 to vector<16xf32>
    %get3A = arith.constant 0 : index
    %get3A_4 = tpu.vector_load %arg4[%get3A] {strides = array<i32>} : memref<32xi32, #tpu.memory_space<vmem>>, vector<16xi32>,
    %get3A_5 = vector.shape_cast %get3A_4 : vector<16xi32> to vector<16xi32>
    %ne3A = arith.constant 0 : i32
    %ne3A_6 = vector.broadcast %ne3A : i32 to vector<16xi32>
    %ne3A_7 = arith.cmpi ne, %get3A_5, %ne3A_6 : vector<16xi32>
    %jit3A = arith.constant 1.000000e+00 : f32
    %jit3A_8 = arith.constant 0.000000e+00 : f32
    %broadcast_in_dim3A_9 = vector.broadcast %jit3A : f32 to vector<16xf32>
    %broadcast_in_dim3A_10 = vector.broadcast %jit3A_8 : f32 to vector<16xf32>
    %select_n3A = arith.select %ne3A_7, %broadcast_in_dim3A_9, %broadcast_in_dim3A_10 : vector<16xi1>, vector<16xf32>
    %add3A_11 = arith.addf %broadcast_in_dim3A_3, %select_n3A : vector<16xf32>
    %get3A_12 = arith.constant 16 : index
    %get3A_13 = tpu.vector_load %arg4[%get3A_12] {strides = array<i32>} : memref<32xi32, #tpu.memory_space<vmem>>, vector<16xi32>,
    %get3A_14 = vector.shape_cast %get3A_13 : vector<16xi32> to vector<16xi32>
    %ne3A_15 = arith.constant 0 : i32
    %ne3A_16 = vector.broadcast %ne3A_15 : i32 to vector<16xi32>
    %ne3A_17 = arith.cmpi ne, %get3A_14, %ne3A_16 : vector<16xi32>
    %jit3A_18 = arith.constant 1.000000e+00 : f32
    %jit3A_19 = arith.constant 0.000000e+00 : f32
    %broadcast_in_dim3A_20 = vector.broadcast %jit3A_18 : f32 to vector<16xf32>
    %broadcast_in_dim3A_21 = vector.broadcast %jit3A_19 : f32 to vector<16xf32>
    %select_n3A_22 = arith.select %ne3A_17, %broadcast_in_dim3A_20, %broadcast_in_dim3A_21 : vector<16xi1>, vector<16xf32>
    %add3A_23 = arith.addf %add3A_11, %select_n3A_22 : vector<16xf32>
    %swap3A = arith.constant 0 : index
    %swap3A_24 = tpu.vector_load %arg5[%swap3A] {strides = array<i32>} : memref<16xf32, #tpu.memory_space<vmem>>, vector<16xf32>,
    %swap3A_25 = vector.shape_cast %swap3A_24 : vector<16xf32> to vector<16xf32>
    %swap3A_26 = vector.shape_cast %add3A_23 : vector<16xf32> to vector<16xf32>
    tpu.vector_store %arg5[%swap3A], %swap3A_26 {strides = array<i32>} : memref<16xf32, #tpu.memory_space<vmem>>, vector<16xf32>,
    %mul3A_27 = arith.constant 16 : i32
    %mul3A_28 = arith.muli %add3A, %mul3A_27 : i32
    "tpu.region"() ({
      %run_scoped3A = tpu.sem_alloc : memref<!tpu.dma_semaphore, #tpu.memory_space<semaphore_mem>>
      %dma_start3A = tpu.memref_slice %arg3[%mul3A_28] : memref<512xf32, #tpu.memory_space<hbm>> -> memref<16xf32, #tpu.memory_space<hbm>>
      %dma_start3A_29 = tpu.memref_slice %arg3[%mul3A_28] : memref<512xf32, #tpu.memory_space<hbm>> -> memref<16xf32, #tpu.memory_space<hbm>>
      tpu.enqueue_dma source(%arg5 : memref<16xf32, #tpu.memory_space<vmem>>) target(%dma_start3A_29 : memref<16xf32, #tpu.memory_space<hbm>>) target_semaphore(%run_scoped3A : memref<!tpu.dma_semaphore, #tpu.memory_space<semaphore_mem>>)
      %dma_wait3A = tpu.memref_slice %arg3[%mul3A_28] : memref<512xf32, #tpu.memory_space<hbm>> -> memref<16xf32, #tpu.memory_space<hbm>>
      %dma_wait3A_30 = tpu.memref_slice %arg3[%mul3A_28] : memref<512xf32, #tpu.memory_space<hbm>> -> memref<16xf32, #tpu.memory_space<hbm>>
      tpu.wait_dma2 semaphore(%run_scoped3A : memref<!tpu.dma_semaphore, #tpu.memory_space<semaphore_mem>>) src(%arg5 : memref<16xf32, #tpu.memory_space<vmem>>) dst(%dma_wait3A_30 : memref<16xf32, #tpu.memory_space<hbm>>)
      tpu.yield
    }) : () -> ()
    return
  }
}

module attributes {stable_mosaic.version = 14 : i64} {
  func.func @_tc_body(%arg0: i32, %arg1: memref<1024x1xi32, #tpu.memory_space<vmem>>, %arg2: memref<16x100000xf32, #tpu.memory_space<vmem>>, %arg3: memref<16x100000xf32, #tpu.memory_space<vmem>>, %arg4: memref<32x16xf32, #tpu.memory_space<vmem>>, %arg5: memref<1x1xf32, #tpu.memory_space<smem>>, %arg6: memref<1xf32, #tpu.memory_space<smem>>) attributes {dimension_semantics = [#tpu.dimension_semantics<arbitrary>], iteration_bounds = array<i64: 32>, scalar_prefetch = 0 : i64, scratch_operands = 1 : i64, tpu.core_type = #tpu.core_type<tc>, window_params = [{pipeline_mode = #tpu.pipeline_mode<synchronous>, transform_indices = @transform_0, window_bounds = array<i64: 1024, 1>}, {transform_indices = @transform_1, window_bounds = array<i64: 16, 100000>}, {transform_indices = @transform_2, window_bounds = array<i64: 16, 100000>}, {pipeline_mode = #tpu.pipeline_mode<synchronous>, transform_indices = @transform_3, window_bounds = array<i64: 32, 16>}, {transform_indices = @transform_4, window_bounds = array<i64: 1, 1>}]} {
    %eq3A = arith.constant 0 : i32
    %eq3A_0 = arith.cmpi eq, %arg0, %eq3A : i32
    %convert_element_type3A = arith.extui %eq3A_0 : i1 to i32
    %cond3A = arith.constant 0 : i32
    %cond3A_1 = arith.cmpi ne, %convert_element_type3A, %cond3A : i32
    scf.if %cond3A_1 {
      %swap3A_93 = arith.constant 0.000000e+00 : f32
      %swap3A_94 = arith.constant 0 : index
      %swap3A_95 = memref.load %arg6[%swap3A_94] : memref<1xf32, #tpu.memory_space<smem>>
      memref.store %swap3A_93, %arg6[%swap3A_94] : memref<1xf32, #tpu.memory_space<smem>>
    } else {
    }
    %add3A = arith.constant 0 : i32
    %add3A_2 = arith.addi %add3A, %arg0 : i32
    %mul3A = arith.constant 16 : i32
    %mul3A_3 = arith.muli %add3A_2, %mul3A : i32
    %get3A = arith.index_cast %mul3A_3 : i32 to index
    %get3A_4 = arith.constant 0 : index
    %get3A_5 = vector.load %arg1[%get3A, %get3A_4] : memref<1024x1xi32, #tpu.memory_space<vmem>>, vector<16x1xi32>
    %ne3A = arith.constant 0 : i32
    %ne3A_6 = vector.broadcast %ne3A : i32 to vector<16x1xi32>
    %ne3A_7 = arith.cmpi ne, %get3A_5, %ne3A_6 : vector<16x1xi32>
    %convert_element_type3A_8 = arith.extui %ne3A_7 : vector<16x1xi1> to vector<16x1xi32>
    %convert_element_type3A_9 = arith.sitofp %convert_element_type3A_8 : vector<16x1xi32> to vector<16x1xf32>
    %squeeze3A = vector.shape_cast %convert_element_type3A_9 : vector<16x1xf32> to vector<16xf32>
    %get3A_10 = arith.constant 0 : index
    %get3A_11 = arith.constant 0 : index
    %get3A_12 = vector.load %arg2[%get3A_10, %get3A_11] : memref<16x100000xf32, #tpu.memory_space<vmem>>, vector<16x100000xf32>
    %reduce_sum3A = arith.constant dense<0.000000e+00> : vector<16xf32>
    %reduce_sum3A_13 = vector.multi_reduction <add>, %get3A_12, %reduce_sum3A [1] : vector<16x100000xf32> to vector<16xf32>
    %iota3A = tpu.iota {dimensions = array<i32: 1>} : vector<16x100000xi32>
    %eq3A_14 = vector.broadcast %get3A_5 : vector<16x1xi32> to vector<16x100000xi32>
    %eq3A_15 = arith.cmpi eq, %iota3A, %eq3A_14 : vector<16x100000xi32>
    %jit3A = arith.constant 0.000000e+00 : f32
    %broadcast_in_dim3A = vector.broadcast %jit3A : f32 to vector<16x100000xf32>
    %select_n3A = arith.select %eq3A_15, %get3A_12, %broadcast_in_dim3A : vector<16x100000xi1>, vector<16x100000xf32>
    %reduce_sum3A_16 = arith.constant dense<0.000000e+00> : vector<16xf32>
    %reduce_sum3A_17 = vector.multi_reduction <add>, %select_n3A, %reduce_sum3A_16 [1] : vector<16x100000xf32> to vector<16xf32>
    %slice3A = vector.extract_strided_slice %get3A_12 {offsets = [0, 0], sizes = [16, 1], strides = [1, 1]} : vector<16x100000xf32> to vector<16x1xf32>
    %squeeze3A_18 = vector.shape_cast %slice3A : vector<16x1xf32> to vector<16xf32>
    %mul3A_19 = arith.constant -1.000020e-06 : f32
    %mul3A_20 = vector.broadcast %mul3A_19 : f32 to vector<16xf32>
    %mul3A_21 = arith.mulf %mul3A_20, %reduce_sum3A_13 : vector<16xf32>
    %mul3A_22 = arith.constant 1.000020e-06 : f32
    %mul3A_23 = vector.broadcast %mul3A_22 : f32 to vector<16xf32>
    %mul3A_24 = arith.mulf %mul3A_23, %squeeze3A_18 : vector<16xf32>
    %add3A_25 = arith.addf %mul3A_21, %mul3A_24 : vector<16xf32>
    %mul3A_26 = arith.constant -8.999990e-01 : f32
    %mul3A_27 = vector.broadcast %mul3A_26 : f32 to vector<16xf32>
    %mul3A_28 = arith.mulf %mul3A_27, %reduce_sum3A_17 : vector<16xf32>
    %add3A_29 = arith.addf %add3A_25, %mul3A_28 : vector<16xf32>
    %mul3A_30 = arith.mulf %squeeze3A, %add3A_29 : vector<16xf32>
    %reduce_sum3A_31 = vector.shape_cast %mul3A_30 : vector<16xf32> to vector<1x16xf32>
    %reduce_sum3A_32 = arith.constant dense<0.000000e+00> : vector<1xf32>
    %reduce_sum3A_33 = vector.multi_reduction <add>, %reduce_sum3A_31, %reduce_sum3A_32 [1] : vector<1x16xf32> to vector<1xf32>
    %reduce_sum3A_34 = vector.shape_cast %reduce_sum3A_33 : vector<1xf32> to vector<1x1xf32>
    %reduce_sum3A_35 = vector.extract %reduce_sum3A_34[0, 0] : f32 from vector<1x1xf32>
    %add3A_36 = arith.constant 0.000000e+00 : f32
    %add3A_37 = arith.addf %add3A_36, %reduce_sum3A_35 : f32
    %add3A_38 = arith.constant 32 : i32
    %add3A_39 = arith.addi %add3A_38, %arg0 : i32
    %mul3A_40 = arith.constant 16 : i32
    %mul3A_41 = arith.muli %add3A_39, %mul3A_40 : i32
    %get3A_42 = arith.index_cast %mul3A_41 : i32 to index
    %get3A_43 = arith.constant 0 : index
    %get3A_44 = vector.load %arg1[%get3A_42, %get3A_43] : memref<1024x1xi32, #tpu.memory_space<vmem>>, vector<16x1xi32>
    %ne3A_45 = arith.constant 0 : i32
    %ne3A_46 = vector.broadcast %ne3A_45 : i32 to vector<16x1xi32>
    %ne3A_47 = arith.cmpi ne, %get3A_44, %ne3A_46 : vector<16x1xi32>
    %convert_element_type3A_48 = arith.extui %ne3A_47 : vector<16x1xi1> to vector<16x1xi32>
    %convert_element_type3A_49 = arith.sitofp %convert_element_type3A_48 : vector<16x1xi32> to vector<16x1xf32>
    %squeeze3A_50 = vector.shape_cast %convert_element_type3A_49 : vector<16x1xf32> to vector<16xf32>
    %get3A_51 = arith.constant 0 : index
    %get3A_52 = arith.constant 0 : index
    %get3A_53 = vector.load %arg3[%get3A_51, %get3A_52] : memref<16x100000xf32, #tpu.memory_space<vmem>>, vector<16x100000xf32>
    %reduce_sum3A_54 = arith.constant dense<0.000000e+00> : vector<16xf32>
    %reduce_sum3A_55 = vector.multi_reduction <add>, %get3A_53, %reduce_sum3A_54 [1] : vector<16x100000xf32> to vector<16xf32>
    %iota3A_56 = tpu.iota {dimensions = array<i32: 1>} : vector<16x100000xi32>
    %eq3A_57 = vector.broadcast %get3A_44 : vector<16x1xi32> to vector<16x100000xi32>
    %eq3A_58 = arith.cmpi eq, %iota3A_56, %eq3A_57 : vector<16x100000xi32>
    %jit3A_59 = arith.constant 0.000000e+00 : f32
    %broadcast_in_dim3A_60 = vector.broadcast %jit3A_59 : f32 to vector<16x100000xf32>
    %select_n3A_61 = arith.select %eq3A_58, %get3A_53, %broadcast_in_dim3A_60 : vector<16x100000xi1>, vector<16x100000xf32>
    %reduce_sum3A_62 = arith.constant dense<0.000000e+00> : vector<16xf32>
    %reduce_sum3A_63 = vector.multi_reduction <add>, %select_n3A_61, %reduce_sum3A_62 [1] : vector<16x100000xf32> to vector<16xf32>
    %slice3A_64 = vector.extract_strided_slice %get3A_53 {offsets = [0, 0], sizes = [16, 1], strides = [1, 1]} : vector<16x100000xf32> to vector<16x1xf32>
    %squeeze3A_65 = vector.shape_cast %slice3A_64 : vector<16x1xf32> to vector<16xf32>
    %mul3A_66 = arith.constant -1.000020e-06 : f32
    %mul3A_67 = vector.broadcast %mul3A_66 : f32 to vector<16xf32>
    %mul3A_68 = arith.mulf %mul3A_67, %reduce_sum3A_55 : vector<16xf32>
    %mul3A_69 = arith.constant 1.000020e-06 : f32
    %mul3A_70 = vector.broadcast %mul3A_69 : f32 to vector<16xf32>
    %mul3A_71 = arith.mulf %mul3A_70, %squeeze3A_65 : vector<16xf32>
    %add3A_72 = arith.addf %mul3A_68, %mul3A_71 : vector<16xf32>
    %mul3A_73 = arith.constant -8.999990e-01 : f32
    %mul3A_74 = vector.broadcast %mul3A_73 : f32 to vector<16xf32>
    %mul3A_75 = arith.mulf %mul3A_74, %reduce_sum3A_63 : vector<16xf32>
    %add3A_76 = arith.addf %add3A_72, %mul3A_75 : vector<16xf32>
    %mul3A_77 = arith.mulf %squeeze3A_50, %add3A_76 : vector<16xf32>
    %reduce_sum3A_78 = vector.shape_cast %mul3A_77 : vector<16xf32> to vector<1x16xf32>
    %reduce_sum3A_79 = arith.constant dense<0.000000e+00> : vector<1xf32>
    %reduce_sum3A_80 = vector.multi_reduction <add>, %reduce_sum3A_78, %reduce_sum3A_79 [1] : vector<1x16xf32> to vector<1xf32>
    %reduce_sum3A_81 = vector.shape_cast %reduce_sum3A_80 : vector<1xf32> to vector<1x1xf32>
    %reduce_sum3A_82 = vector.extract %reduce_sum3A_81[0, 0] : f32 from vector<1x1xf32>
    %add3A_83 = arith.addf %add3A_37, %reduce_sum3A_82 : f32
    %get3A_84 = arith.constant 0 : index
    %get3A_85 = memref.load %arg6[%get3A_84] : memref<1xf32, #tpu.memory_space<smem>>
    %add3A_86 = arith.addf %get3A_85, %add3A_83 : f32
    %swap3A = arith.constant 0 : index
    %swap3A_87 = memref.load %arg6[%swap3A] : memref<1xf32, #tpu.memory_space<smem>>
    memref.store %add3A_86, %arg6[%swap3A] : memref<1xf32, #tpu.memory_space<smem>>
    %eq3A_88 = arith.constant 31 : i32
    %eq3A_89 = arith.cmpi eq, %arg0, %eq3A_88 : i32
    %convert_element_type3A_90 = arith.extui %eq3A_89 : i1 to i32
    %cond3A_91 = arith.constant 0 : i32
    %cond3A_92 = arith.cmpi ne, %convert_element_type3A_90, %cond3A_91 : i32
    scf.if %cond3A_92 {
      %get3A_93 = arith.constant 0 : index
      %get3A_94 = arith.constant 0 : index
      %get3A_95 = vector.load %arg4[%get3A_93, %get3A_94] : memref<32x16xf32, #tpu.memory_space<vmem>>, vector<32x16xf32>
      %reduce_sum3A_96 = vector.shape_cast %get3A_95 : vector<32x16xf32> to vector<1x32x16xf32>
      %reduce_sum3A_97 = arith.constant dense<0.000000e+00> : vector<1xf32>
      %reduce_sum3A_98 = vector.multi_reduction <add>, %reduce_sum3A_96, %reduce_sum3A_97 [1, 2] : vector<1x32x16xf32> to vector<1xf32>
      %reduce_sum3A_99 = vector.shape_cast %reduce_sum3A_98 : vector<1xf32> to vector<1x1x1xf32>
      %reduce_sum3A_100 = vector.extract %reduce_sum3A_99[0, 0, 0] : f32 from vector<1x1x1xf32>
      %mul3A_101 = arith.constant -1.47637355 : f32
      %mul3A_102 = arith.mulf %mul3A_101, %reduce_sum3A_100 : f32
      %get3A_103 = arith.constant 0 : index
      %get3A_104 = memref.load %arg6[%get3A_103] : memref<1xf32, #tpu.memory_space<smem>>
      %add3A_105 = arith.addf %get3A_104, %mul3A_102 : f32
      %swap3A_106 = arith.constant 0 : index
      %swap3A_107 = arith.constant 0 : index
      %swap3A_108 = memref.load %arg5[%swap3A_106, %swap3A_107] : memref<1x1xf32, #tpu.memory_space<smem>>
      memref.store %add3A_105, %arg5[%swap3A_106, %swap3A_107] : memref<1x1xf32, #tpu.memory_space<smem>>
    } else {
    }
    return
  }
  func.func @transform_0(%arg0: i32) -> (i32, i32) {
    %c0_i32 = arith.constant 0 : i32
    %c0_i32_0 = arith.constant 0 : i32
    %c0_i32_1 = arith.constant 0 : i32
    return %c0_i32, %c0_i32_0 : i32, i32
  }
  func.func @transform_1(%arg0: i32) -> (i32, i32) {
    %add3A = arith.constant 0 : i32
    %add3A_0 = arith.addi %add3A, %arg0 : i32
    %c0_i32 = arith.constant 0 : i32
    %c0_i32_1 = arith.constant 0 : i32
    return %add3A_0, %c0_i32 : i32, i32
  }
  func.func @transform_2(%arg0: i32) -> (i32, i32) {
    %add3A = arith.constant 32 : i32
    %add3A_0 = arith.addi %add3A, %arg0 : i32
    %c0_i32 = arith.constant 0 : i32
    %c0_i32_1 = arith.constant 0 : i32
    return %add3A_0, %c0_i32 : i32, i32
  }
  func.func @transform_3(%arg0: i32) -> (i32, i32) {
    %c0_i32 = arith.constant 0 : i32
    %c0_i32_0 = arith.constant 0 : i32
    %c0_i32_1 = arith.constant 0 : i32
    return %c0_i32, %c0_i32_0 : i32, i32
  }
  func.func @transform_4(%arg0: i32) -> (i32, i32) {
    %c0_i32 = arith.constant 0 : i32
    %c0_i32_0 = arith.constant 0 : i32
    %c0_i32_1 = arith.constant 0 : i32
    return %c0_i32, %c0_i32_0 : i32, i32
  }
}

</mosaic_0001>

<sc_bundles>
// kernel: kernel.4.cloned.1.call-start
scs
__scs_entry_jumppad:
0x0: {  	(pc) =	sbr.rel $0x88, $3  }
0x1: {  	(tag) =	ssettag $0x0;
	lr =	simm.s32 $0x1  }
0x2: {  	[smem:$0x3F9F] =	sst lr;
	_ =	strace $0xD0000000  }
0x3: {  	_ = 	snop  }
0x4: {  	_ = 	snop  }
0x5: {  	_ = 	snop  }
0x6: {  	_ = 	snop  }
0x7: {  	_ = 	snop  }
__scs_overlays_trampoline_lowered:
0x8: {  	[smem:$0x3FAE] =	sst s0  }
0x9: {  	[smem:$0x3FAF] =	sst s1  }
0xa: {  	[smem:$0x3FB0] =	sst s2  }
0xb: {  	[smem:$0x3FB1] =	sst s3  }
0xc: {  	[smem:$0x3FB2] =	sst s4  }
0xd: {  	[smem:$0x3FB3] =	sst s5  }
0xe: {  	[smem:$0x3FB4] =	sst s6  }
0xf: {  	[smem:$0x3FB5] =	sst s7  }
0x10: {  	[smem:$0x3FB6] =	sst s8  }
0x11: {  	[smem:$0x3FB7] =	sst s9;
	s0 =	simm.s32 @!p0 $0x0  }
0x12: {  	s1 =	sld [smem:$0x3F9D];
	s0 =	simm.s32 @p0 $0x1  }
0x13: {  	[smem:$0x3FB8] =	sst s0;
	s0 =	simm.s32 @!p1 $0x0  }
0x14: {  	s2 =	sld [smem:$0x3F9C];
	s0 =	simm.s32 @p1 $0x1  }
0x15: {  	[smem:$0x3FB9] =	sst s0;
	s0 =	simm.s32 @!p2 $0x0  }
0x16: {  	s3 =	sld [smem:$0x3FDB];
	s0 =	simm.s32 @p2 $0x1  }
0x17: {  	s4 =	simm.s32 $0x1BF5;
	[smem:$0x3FBB] =	sst s0  }
0x18: {  	s0 =	sld [smem:$0x3F9E];
	_ =	swait.ge [sflag:s4], $0x0  }
0x19: {  	s7 =	sld [smem:$0x3F9F]  }
0x1a: {  	s8 =	sadd.s32 $0xFFFFE003, lr  }
0x1b: {  	s9 =	sadd.s32 $0xFFFFFEF7, lr;
	s5 =	simm.s32 $0xFFFFFFFF;
	p2 =	slt.u32 s8, $0xFFFFF086  }
0x1c: {  	p1 =	slt.u32 s9, $0xF7A;
	s5 =	simm.s32 @!p2 $0x0  }
0x1d: {  	s5 =	simm.s32 @p1 $0x1;
	p0 =	seq.s32 s7, s2  }
0x1e: {  	s7 =	smul.u32 @!p0 $0xF7A, s2;
	p2 =	seq.s32 @!p0 s5, $0x0  }
0x1f: {  	s9 =	smul.u32 $0xF7A, s1;
	s8 =	simm.s32 @!p0 $0x1BF5;
	p2 =	por !p2, p0  }
0x20: {  	[sflag:s8] =	ssyncset.s32 @!p0 $0xFFFFF086;
	s6 =	sadd.s32 @!p0 s3, s7;
	s7 =	simm.s32 @!p0 $0x108  }
0x21: {  	s3 =	sadd.s32 s3, s9;
	s6 =	sadd.s32 @!p0 $0x88, s6;
	s7 =	simm.s32 @p2 $0x1082  }
0x22: {  	[simem:s7], [sflag:s8] =	dma.local @!p0 [hbm:s6], $0xF7A  }
0x23: {  	s9 =	sor.u32 $0xD0000000, s2;
	s6 =	simm.s32 $0x108;
	_ =	swait.ge @!p0 [sflag:s8], $0x0  }
0x24: {  	s3 =	sadd.s32 $0x88, s3;
	s6 =	simm.s32 @!p1 $0x1082;
	[sflag:s4] =	ssyncset.s32 $0xFFFFF086  }
0x25: {  	[simem:s6], [sflag:s4] =	dma.local [hbm:s3], $0xF7A  }
0x26: {  	[smem:$0x3F9F] =	sst s1;
	(tag) =	ssettag s2;
	_ =	strace s9  }
0x27: {  	s1 =	sld [smem:$0x3FAF]  }
0x28: {  	s2 =	sld [smem:$0x3FB0]  }
0x29: {  	s4 =	sld [smem:$0x3FB2]  }
0x2a: {  	p0 =	seq.s32 s5, $0x0;
	s5 =	sld [smem:$0x3FB3]  }
0x2b: {  	s6 =	sld [smem:$0x3FB4]  }
0x2c: {  	s7 =	sld [smem:$0x3FB5]  }
0x2d: {  	s3 =	simm.s32 $0x108;
	s8 =	sld [smem:$0x3FB6]  }
0x2e: {  	s3 =	simm.s32 @!p0 $0x1082;
	s9 =	sld [smem:$0x3FB7]  }
0x2f: {  	lr =	sadd.s32 s0, s3;
	s0 =	sld [smem:$0x3FAE]  }
0x30: {  	s3 =	sld [smem:$0x3FB1]  }
0x31: {  	[smem:$0x3FBA] =	sst s10  }
0x32: {  	s10 =	sld [smem:$0x3FB8];
	_ =	sdelay $0x3  }
0x33: {  	p0 =	seq.s32 s10, $0x1;
	s10 =	sld [smem:$0x3FBA];
	_ =	sdelay $0x3  }
0x34: {  	[smem:$0x3FBA] =	sst s10  }
0x35: {  	s10 =	sld [smem:$0x3FB9];
	_ =	sdelay $0x3  }
0x36: {  	p1 =	seq.s32 s10, $0x1;
	s10 =	sld [smem:$0x3FBA];
	_ =	sdelay $0x3  }
0x37: {  	[smem:$0x3FBA] =	sst s10  }
0x38: {  	s10 =	sld [smem:$0x3FBB]  }
0x39: {  	_ = 	snop;
	(pc) =	sbr.ind lr, $3  }
0x3a: {  	_ = 	snop  }
0x3b: {  	_ = 	snop  }
0x3c: {  	p2 =	seq.s32 s10, $0x1;
	s10 =	sld [smem:$0x3FBA]  }
0x3d: {  	_ =	shalt  }
0x3e: {  	_ =	shalt  }
0x3f: {  	_ =	shalt  }
0x40: {  	_ =	shalt  }
0x41: {  	_ =	shalt  }
0x42: {  	_ =	shalt  }
0x43: {  	_ =	shalt  }
0x44: {  	_ =	shalt  }
0x45: {  	_ =	shalt  }
0x46: {  	_ =	shalt  }
0x47: {  	_ =	shalt  }
0x48: {  	_ =	shalt  }
0x49: {  	_ =	shalt  }
0x4a: {  	_ =	shalt  }
0x4b: {  	_ =	shalt  }
0x4c: {  	_ =	shalt  }
0x4d: {  	_ =	shalt  }
0x4e: {  	_ =	shalt  }
0x4f: {  	_ =	shalt  }
0x50: {  	_ =	shalt  }
0x51: {  	_ =	shalt  }
0x52: {  	_ =	shalt  }
0x53: {  	_ =	shalt  }
0x54: {  	_ =	shalt  }
0x55: {  	_ =	shalt  }
0x56: {  	_ =	shalt  }
0x57: {  	_ =	shalt  }
0x58: {  	_ =	shalt  }
0x59: {  	_ =	shalt  }
0x5a: {  	_ =	shalt  }
0x5b: {  	_ =	shalt  }
0x5c: {  	_ =	shalt  }
0x5d: {  	_ =	shalt  }
0x5e: {  	_ =	shalt  }
0x5f: {  	_ =	shalt  }
0x60: {  	_ =	shalt  }
0x61: {  	_ =	shalt  }
0x62: {  	_ =	shalt  }
0x63: {  	_ =	shalt  }
0x64: {  	_ =	shalt  }
0x65: {  	_ =	shalt  }
0x66: {  	_ =	shalt  }
0x67: {  	_ =	shalt  }
0x68: {  	_ =	shalt  }
0x69: {  	_ =	shalt  }
0x6a: {  	_ =	shalt  }
0x6b: {  	_ =	shalt  }
0x6c: {  	_ =	shalt  }
0x6d: {  	_ =	shalt  }
0x6e: {  	_ =	shalt  }
0x6f: {  	_ =	shalt  }
0x70: {  	_ =	shalt  }
0x71: {  	_ =	shalt  }
0x72: {  	_ =	shalt  }
0x73: {  	_ =	shalt  }
0x74: {  	_ =	shalt  }
0x75: {  	_ =	shalt  }
0x76: {  	_ =	shalt  }
0x77: {  	_ =	shalt  }
0x78: {  	_ =	shalt  }
0x79: {  	_ =	shalt  }
0x7a: {  	_ =	shalt  }
0x7b: {  	_ =	shalt  }
0x7c: {  	_ =	shalt  }
0x7d: {  	_ =	shalt  }
0x7e: {  	_ =	shalt  }
0x7f: {  	_ =	shalt  }
0x80: {  	_ =	shalt  }
0x81: {  	_ =	shalt  }
0x82: {  	_ =	shalt  }
0x83: {  	_ =	shalt  }
0x84: {  	_ =	shalt  }
0x85: {  	_ =	shalt  }
0x86: {  	_ =	shalt  }
0x87: {  	_ =	shalt  }
.Lfunc_end0:
.L_simem_size_0:
called_computation_lowered:
.L_overlay_start_0:
0x88: {  	s2 =	sld [smem:$0x3FD9]  }
0x89: {  	s3 =	sld [smem:$0x3FFE];
	_ =	sdelay $0x1  }
0x8a: {  	s1 =	srdreg.scid  }
0x8b: {  	s0 =	sand.u32 $0x1, s1  }
0x8c: {  	s17 =	sshll.u32 s0, $0xA;
	s2 =	sadd.s32 s3, s2  }
0x8d: {  	s2 =	sadd.s32 s2, s17  }
0x8e: {  	[smem:$0x3FC6] =	sst s2  }
0x8f: {  	_ = 	snop  }
0x90: {  	s2 =	sld [smem:$0x3FC8];
	(tm) =	ssettm $0x1  }
0x91: {  	s18 =	sld [smem:$0x3FFB];
	_ =	sdelay $0x3  }
0x92: {  	_ =	strace s18  }
0x93: {  	s3 =	sld [smem:$0x3FFC];
	_ =	sdelay $0x3  }
0x94: {  	_ =	strace s3  }
0x95: {  	s3 =	sld [smem:$0x3FFD];
	_ =	sdelay $0x3  }
0x96: {  	_ =	strace s3  }
0x97: {  	_ =	strace $0x8FFFFFFF  }
0x98: {  	s19 =	sld [smem:$0x3FDB];
	_ =	sdelay $0x1  }
0x99: {  	s4 =	simm.s32 $_scs_section_size  }
0x9a: {  	s5 =	simm.s32 $_size__tile_overlayer_lowered;
	s6 =	simm.s32 $_tile_overlayer_lowered  }
0x9b: {  	s22 =	simm.s32 $0x1BFF;
	s21 =	sshll.u32 s6, $0x1;
	s3 =	sadd.s32 s4, s19  }
0x9c: {  	s7 =	simm.s32 $0x0;
	s20 =	sshll.u32 s5, $0x1;
	s5 =	sadd.s32 s21, s3  }
0x9d: {  	[timem:s7], [sflag:s22] =	dma.local [hbm:s5], s20  }
0x9e: {  	_ =	swait.ge [sflag:s22], s20  }
0x9f: {  	s4 =	ssub.s32 $0x0, s20;
	[sflag:s22] =	ssyncset.done $0x0  }
0xa0: {  	[sflag:s22] =	ssyncadd.s32 s4;
	_ =	sdelay $0x1  }
0xa1: {  	s23 =	simm.s32 $0x1B8B  }
0xa2: {  	_ =	swait.ge [sflag:s23], $0x1  }
0xa3: {  	[sflag:s23] =	ssyncset.done $0x0  }
0xa4: {  	s25 =	simm.s32 $0x1B8E;
	s24 =	sld [smem:$0x3FFE];
	[sflag:s23] =	ssyncadd.s32 $0xFFFFFFFF  }
0xa5: {  	s26 =	simm.s32 $execute0_lowered;
	[smem:$0x3FD2] =	sst s25  }
0xa6: {  	s5 =	sshll.u32 s26, $0x1;
	_ =	strace $0x80000046;
	[dreg:$0x1] =	wrdreg $0xFFFFFFFF  }
0xa7: {  	s28 =	simm.s32 $_size_execute0_lowered;
	s3 =	sadd.s32 s3, s5;
	[dreg:$0x0] =	wrdreg $0x0  }
0xa8: {  	s5 =	sshll.u32 s28, $0x1;
	[dreg:$0x2] =	wrdreg s3  }
0xa9: {  	[dreg:$0x3] =	wrdreg s5  }
0xaa: {  	[dreg:$0x4] =	wrdreg $0xC0  }
0xab: {  	_ =	task [dreg:s7], $0x5FFFF  }
0xac: {  	[dreg:$0x1] =	wrdreg $0xFFFFFFFF  }
0xad: {  	[dreg:$0x0] =	wrdreg $0x60  }
0xae: {  	[dreg:$0x2] =	wrdreg s2  }
0xaf: {  	[dreg:$0x3] =	wrdreg s24  }
0xb0: {  	[dreg:$0x4] =	wrdreg $0x9  }
0xb1: {  	_ =	task.clear_ibuf [dreg:s7], $0x5FFFF;
	_ =	strace $0x90000046  }
0xb2: {  	s29 =	simm.s32 $0x9;
	_ =	strace $0x80000048  }
0xb3: {  	_ =	swait.ge [sflag:s29], $0x1  }
0xb4: {  	[sflag:s29] =	ssyncadd.s32 $0xFFFFFFFF  }
0xb5: {  	_ =	strace $0x90000048  }
0xb6: {  	_ =	sfence  }
0xb7: {  	s30 =	sld [smem:$0x0];
	_ =	sdelay $0x2  }
0xb8: {  	s31 =	sshll.u32 s1, $0xD;
	s1 =	sshrl.u32 s1, $0x2  }
0xb9: {  	s3 =	sand.u32 $0x4000, s31;
	s1 =	sadd.s32 s1, s30  }
0xba: {  	s0 =	sor.u32 s3, s0;
	s1 =	sshll.u32 s1, $0x11  }
0xbb: {  	s0 =	sor.u32 s1, s0  }
0xbc: {  	s0 =	sadd.s32 $0x8F2B, s0  }
0xbd: {  	[sflag:s0] =	ssyncadd.remote.s32 $0x1  }
0xbe: {  	_ =	sfence.sel $0xFFFF  }
0xbf: {  	[dreg:$0x0] =	wrdreg $0xFFFFFFFF;
	(pc) =	sbr.abs _section_cstart, $3  }
0xc0: {  	[dreg:$0x1] =	wrdreg $0xFFFFFFFF  }
0xc1: {  	_ =	task.clear_ibuf [dreg:s7], $0x2FFFF;
	_ =	strace $0x9FFFFFFF  }
0xc2: {  	(tm) =	ssettm $0x7FFFFFFF  }
0xc3: {  	_ =	shalt  }
tec
execute0_lowered:
.L_overlay_start_1:
0x0: {  	(tag) =	ssettag $0x1  }
0x1: {  	s3 =	rddreg [dreg:$0x0]  }
0x2: {  	s1 =	srdreg.scid;
	s0 =	stileid.u32  }
0x3: {  	s5 =	rddreg [dreg:$0x1];
	s6 =	sand.u32 $0x1, s1;
	s4 =	sshll.u32 s0, $0x1  }
0x4: {  	s2 =	simm.s32 $0x0;
	s1 =	rddreg [dreg:$0x2];
	s7 =	sor.u32 s6, s4  }
0x5: {  	[smem:$0x7FF] =	sst s2;
	s4 =	sshll.u32 s7, $0x2  }
0x6: {  	_ =	strace $0x80000047;
	s4 =	sadd.s32 s3, s4;
	s3 =	simm.s32 $0x1  }
0x7: {  	[tilespmem:s2], [sflag:$0x1] =	stream.linear.gather [hbm4b:s4+s2], $0x20, $0x38;
	[tilespmem:$0x100] =	vst v63  }
0x8: {  	_ =	swait.ge [sflag:s3], $0x20  }
0x9: {  	[sflag:s3] =	ssyncset.done $0x0  }
0xa: {  	[sflag:s3] =	ssyncadd.s32 $0xFFFFFFE0  }
0xb: {  	v1 =	vld [tilespmem:$0x0]  }
0xc: {  	v2 =	vld [tilespmem:$0x10];
	_ =	sdelay $0x1  }
0xd: {  	s6 =	ssub.s32 $0x2, s6  }
0xe: {  	s8 =	sshrl.u32 s6, $0x1  }
0xf: {  	s6 =	ssub.s32 s6, s8  }
0x10: {  	v0 =	vimm.f32 $1.000000000e+00;
	s31 =	smax.u32 s6, $0x1;
	vm0 =	veq.s32 v1, $0x0;
	vm1 =	veq.s32 v2, $0x0  }
0x11: {  	p0 =	sne.s32 s31, $0x1;
	v1 =	vsel vm0, $0x0, v0;
	v2 =	vsel vm1, $0x0, v0  }
.Ltmp0:
0x12: {  	s7 =	sshll.u32 s7, $0x1;
	v1 =	vadd.f32 v2, v1;
	(pc) =	sbr.rel @!p0 .LBB2_2-.Ltmp0, $4  }
0x13: {  	s5 =	sadd.s32 s7, s5  }
0x14: {  	s5 =	sadd.s32 $0x600, s5;
	s6 =	simm.s32 $0x80;
	[tilespmem:$0x80] =	vst v1  }
0x15: {  	[hbm4b:s5+s2] =	stream.linear.scatter [tilespmem:s6], [sflag:$0x1], $0x10, $0x38;
	[tilespmem:$0x100] =	vst v63  }
0x16: {  	s7 =	sadd.s32 $0xFFFFFFFF, s31;
	_ =	swait.ge [sflag:s3], $0x10  }
.LBB2_1:
0x17: {  	p0 =	sne.s32 s7, $0x1;
	s7 =	sadd.s32 $0xFFFFFFFF, s7;
	[sflag:s3] =	ssyncset.done $0x0  }
0x18: {  	[sflag:s3] =	ssyncadd.s32 $0xFFFFFFF0  }
0x19: {  	[tilespmem:s2], [sflag:$0x1] =	stream.linear.gather [hbm4b:s4+s2], $0x20, $0x38;
	[tilespmem:$0x100] =	vst v63  }
0x1a: {  	_ =	swait.ge [sflag:s3], $0x20  }
0x1b: {  	[sflag:s3] =	ssyncset.done $0x0  }
0x1c: {  	[sflag:s3] =	ssyncadd.s32 $0xFFFFFFE0  }
0x1d: {  	v1 =	vld [tilespmem:$0x0]  }
0x1e: {  	v2 =	vld [tilespmem:$0x10];
	_ =	sdelay $0x3  }
0x1f: {  	vm0 =	veq.s32 v1, $0x0  }
0x20: {  	v1 =	vsel vm0, $0x0, v0;
	vm0 =	veq.s32 v2, $0x0  }
0x21: {  	v2 =	vsel vm0, $0x0, v0  }
.Ltmp1:
0x22: {  	v1 =	vadd.f32 v2, v1;
	(pc) =	sbr.rel @p0 .LBB2_1-.Ltmp1, $4  }
0x23: {  	_ = 	snop  }
0x24: {  	[tilespmem:$0x80] =	vst v1  }
0x25: {  	[hbm4b:s5+s2] =	stream.linear.scatter [tilespmem:s6], [sflag:$0x1], $0x10, $0x38;
	[tilespmem:$0x100] =	vst v63  }
0x26: {  	_ =	swait.ge [sflag:s3], $0x10  }
.LBB2_2:
0x27: {  	[sflag:s3] =	ssyncset.done $0x0  }
0x28: {  	[sflag:s3] =	ssyncadd.s32 $0xFFFFFFF0  }
0x29: {  	_ =	sfence.sel $0x180000  }
0x2a: {  	[bflag:$0x0] =	sbarrier.arrive $0xFFFF  }
0x2b: {  	p0 =	sne.s32 s0, $0x0;
	_ =	strace $0x90000047  }
0x2c: {  	s0 =	sadd.s32 @!p0 $0x100000, s1;
	[bflag:$0x2] =	sbarrier.arrive $0xFFFF  }
0x2d: {  	[sflag:s0] =	ssyncadd.tile.s32 @!p0 $0x1;
	_ =	shalt  }
.Lfunc_end2:
_tile_overlayer_lowered:
.L_overlay_start_2:
0x2e: {  	(tag) =	ssettag $0x2  }
0x2f: {  	s0 =	rddreg [dreg:$0x0];
	s2 =	stileid.u32  }
0x30: {  	s1 =	rddreg [dreg:$0x1];
	p0 =	sne.s32 s2, $0x0  }
0x31: {  	s3 =	rddreg [dreg:$0x2];
	[bflag:$0x3] =	sbarrier.arrive $0xFFFF;
	s2 =	simm.s32 @!p0 $0x1C01  }
0x32: {  	[timem:s3], [sflag:s2] =	dma.local @!p0 [hbm:s0], s1  }
0x33: {  	s0 =	simm.s32 @!p0 $0x1  }
0x34: {  	_ =	swait.ge @!p0 [sflag:s0], s1  }
0x35: {  	s1 =	ssub.s32 @!p0 $0x0, s1;
	[sflag:s0] =	ssyncset.done @!p0 $0x0  }
0x36: {  	[sflag:s0] =	ssyncadd.s32 @!p0 s1  }
0x37: {  	[bflag:$0x3] =	sbarrier.arrive $0xFFFF  }
0x38: {  	_ =	shalt  }

</sc_bundles>
